<compile_context>
chip_gen: v7x
topology: tpu7x:2x2x1
jax: 0.10.2.dev20260603
libtpu: 0.0.44.dev20260713+nightly
codegen_flags: <defaults>
</compile_context>

<pallas_src>
import functools
import math

import jax
import jax.numpy as jnp
from jax import lax
from jax.experimental import pallas as pl
from jax.experimental.pallas import tpu as pltpu
from jax.experimental.pallas import tpu_sc as plsc

_BATCH = 4096
_N = 100000
_D = 64
_TEMP = 0.05
_BK = 2048
_SUB = 2048
_NK = (_N + _BK - 1) // _BK
_NPAD = _NK * _BK
_PAD = _NPAD - _N
_SCALE = math.log2(math.e) / _TEMP

_NW = 32
_BPW = _BATCH // _NW


def _sc_gather(indexes, labels, packed):
    mesh = plsc.VectorSubcoreMesh(core_axis_name="c", subcore_axis_name="s")

    @functools.partial(
        pl.kernel,
        mesh=mesh,
        out_type=(
            jax.ShapeDtypeStruct((_BATCH,), jnp.int32),
            jax.ShapeDtypeStruct((_BATCH, 2 * _D), jnp.float32),
        ),
        scratch_types=[
            pltpu.VMEM((_BPW,), jnp.int32),
            pltpu.VMEM((_BPW,), jnp.int32),
            pltpu.VMEM((_BPW,), jnp.int32),
            pltpu.VMEM((_BPW, 2 * _D), jnp.float32),
            pltpu.SemaphoreType.DMA,
            pltpu.SemaphoreType.DMA,
        ],
    )
    def k(idx_hbm, lab_hbm, pk_hbm, tgt_out, rows_out,
          idx_v, tgt_v, q_v, rows_v, sem1, sem2):
        wid = lax.axis_index("s") * 2 + lax.axis_index("c")
        base = wid * _BPW
        pltpu.sync_copy(idx_hbm.at[pl.ds(base, _BPW)], idx_v)
        pltpu.async_copy(lab_hbm.at[idx_v], tgt_v, sem1).wait()
        for i in range(_BPW // 16):
            sl = pl.ds(i * 16, 16)
            t = tgt_v[sl]
            q_v[sl] = jnp.bitwise_or(
                lax.shift_left(lax.shift_right_logical(t, 11), 10),
                jnp.bitwise_and(t, 1023),
            )
        pltpu.async_copy(pk_hbm.at[q_v], rows_v, sem2).wait()
        pltpu.sync_copy(tgt_v, tgt_out.at[pl.ds(base, _BPW)])
        pltpu.sync_copy(rows_v, rows_out.at[pl.ds(base, _BPW)])

    return k(indexes, labels, packed)


def _sums_kernel(x_ref, ct_ref, sums_ref, pk_ref):
    k = pl.program_id(0)

    @pl.when(k == 0)
    def _init():
        sums_ref[...] = jnp.zeros_like(sums_ref)

    x = (x_ref[...] * jnp.float32(_SCALE)).astype(jnp.bfloat16)
    acc = jnp.zeros((_BATCH, 1), jnp.float32)
    for b in range(_BK // _SUB):
        limit = _N - k * _BK - b * _SUB
        cid = jax.lax.broadcasted_iota(jnp.int32, (_D, _SUB), 1)
        craw = ct_ref[:, b * _SUB : (b + 1) * _SUB]
        c = jnp.where(cid < limit, craw, 0.0).astype(jnp.bfloat16)
        y = jax.lax.dot_general(
            x, c, (((1,), (0,)), ((), ())),
            preferred_element_type=jnp.float32,
        )
        acc = acc + jnp.sum(jnp.exp2(y), axis=1, keepdims=True)
        crows = craw.T
        pk_ref[b * (_SUB // 2) : (b + 1) * (_SUB // 2), :] = jnp.concatenate(
            [crows[: _SUB // 2], crows[_SUB // 2 :]], axis=1
        )
    sums_ref[...] += acc


def _finish_kernel(x_ref, rows_ref, tgt_ref, sums_ref, loss_ref):
    x = x_ref[...] * jnp.float32(_SCALE)
    p0 = jnp.sum(x * rows_ref[:, :_D], axis=1, keepdims=True)
    p1 = jnp.sum(x * rows_ref[:, _D:], axis=1, keepdims=True)
    hi = jnp.bitwise_and(jax.lax.shift_right_logical(tgt_ref[...], 10), 1) == 1
    p = jnp.where(hi, p1, p0)
    s = sums_ref[...] - float(_PAD)
    lp = jnp.log(jnp.exp2(p) / (s + 1e-6) + 1e-6)
    loss_ref[...] = jnp.sum(lp, axis=0, keepdims=True) * (-1.0 / _BATCH)


@jax.jit
def kernel(inputs, indexes, labels, instance_features, cluster_features):
    del instance_features
    ct = cluster_features.T
    sums, packed = pl.pallas_call(
        _sums_kernel,
        grid=(_NK,),
        in_specs=[
            pl.BlockSpec((_BATCH, _D), lambda k: (0, 0)),
            pl.BlockSpec((_D, _BK), lambda k: (0, k)),
        ],
        out_specs=[
            pl.BlockSpec((_BATCH, 1), lambda k: (0, 0)),
            pl.BlockSpec((_BK // 2, 2 * _D), lambda k: (k, 0)),
        ],
        out_shape=[
            jax.ShapeDtypeStruct((_BATCH, 1), jnp.float32),
            jax.ShapeDtypeStruct((_NK * _BK // 2, 2 * _D), jnp.float32),
        ],
        compiler_params=pltpu.CompilerParams(
            dimension_semantics=("arbitrary",),
        ),
    )(inputs, ct)
    tgt, rows = _sc_gather(
        indexes.astype(jnp.int32), labels.astype(jnp.int32), packed
    )
    loss = pl.pallas_call(
        _finish_kernel,
        in_specs=[
            pl.BlockSpec((_BATCH, _D), lambda: (0, 0)),
            pl.BlockSpec((_BATCH, 2 * _D), lambda: (0, 0)),
            pl.BlockSpec((_BATCH, 1), lambda: (0, 0)),
            pl.BlockSpec((_BATCH, 1), lambda: (0, 0)),
        ],
        out_specs=pl.BlockSpec((1, 1), lambda: (0, 0)),
        out_shape=jax.ShapeDtypeStruct((1, 1), jnp.float32),
    )(inputs, rows, tgt.reshape(_BATCH, 1), sums)
    return loss[0, 0]

# --- scband reference (transcript-rebuilt; emitter-appended) ---
"""Pipeline reference for scband-hybrid-memory-91233695301908 (READ-ONLY COPY).

The authoritative reference and input builder live on the scoring server;
editing this copy changes nothing except your own understanding.
"""

import jax, jax.numpy as jnp
import numpy as np

BATCH = 4096
NUM_FEATURES = 64
NUM_SAMPLES = 100000
TEMP = 0.05


def _l2norm(x):
    return x / (jnp.linalg.norm(x, axis=1, keepdims=True) + 1e-12)


def setup_inputs(seed: int = 0) -> dict:
    key = jax.random.key(seed)
    k1, k2, k3, k4, k5 = jax.random.split(key, 5)
    # inputs are embeddings; L2-normalize (standard for contrastive memory banks,
    # and required so exp(sim/0.05) does not overflow)
    inputs = _l2norm(jax.random.normal(k1, (BATCH, NUM_FEATURES), dtype=jnp.float32))
    indexes = jax.random.randint(k2, (BATCH,), 0, NUM_SAMPLES, dtype=jnp.int64)
    # buffers of the module (labels, cluster/instance memory banks)
    labels = jax.random.randint(k3, (NUM_SAMPLES,), 0, NUM_SAMPLES, dtype=jnp.int64)
    cluster_features = _l2norm(jax.random.normal(k4, (NUM_SAMPLES, NUM_FEATURES), dtype=jnp.float32))
    instance_features = _l2norm(jax.random.normal(k5, (NUM_SAMPLES, NUM_FEATURES), dtype=jnp.float32))
    return {
        "inputs": inputs,
        "indexes": indexes,
        "labels": labels,
        "instance_features": instance_features,
        "cluster_features": cluster_features,
    }


def reference(inputs, indexes, labels, instance_features, cluster_features):
    # targets = labels[indexes]
    targets = jnp.take(labels, indexes, axis=0)
    # HM.forward: outputs = inputs @ cluster_features.T (instance_features only used
    # for in-place momentum updates in backward, not in the forward math)
    out = inputs @ cluster_features.T
    out = out / TEMP
    # custom softmax with epsilon in denominator
    exps = jnp.exp(out)
    masked_sums = jnp.sum(exps, axis=1, keepdims=True) + 1e-06
    masked_sim = exps / masked_sums
    logp = jnp.log(masked_sim + 1e-06)
    # F.nll_loss(logp, targets) = -mean(logp[i, targets[i]])
    picked = jnp.take_along_axis(logp, targets[:, None], axis=1)[:, 0]
    loss = -jnp.mean(picked)
    return loss

if __name__ == "__main__":
    import jax
    _d = setup_inputs()
    print(jax.jit(kernel)(*tuple(_d.values())))

</pallas_src>

<mosaic_0001>
#map = affine_map<(d0, d1) -> (0)>
#map1 = affine_map<(d0, d1) -> (0, 0)>
module attributes {stable_mosaic.version = 14 : i64} {
  func.func @k(%arg0: i32, %arg1: i32, %arg2: memref<4096xi32, #tpu.memory_space<hbm>>, %arg3: memref<100000xi32, #tpu.memory_space<hbm>>, %arg4: memref<50176x128xf32, #tpu.memory_space<hbm>>, %arg5: memref<4096xi32, #tpu.memory_space<hbm>>, %arg6: memref<4096x128xf32, #tpu.memory_space<hbm>>, %arg7: memref<128xi32, #tpu.memory_space<vmem>>, %arg8: memref<128xi32, #tpu.memory_space<vmem>>, %arg9: memref<128xi32, #tpu.memory_space<vmem>>, %arg10: memref<128x128xf32, #tpu.memory_space<vmem>>, %arg11: memref<!tpu.dma_semaphore, #tpu.memory_space<semaphore_mem>>, %arg12: memref<!tpu.dma_semaphore, #tpu.memory_space<semaphore_mem>>) attributes {dimension_semantics = [#tpu.dimension_semantics<core_parallel>, #tpu.dimension_semantics<subcore_parallel>], iteration_bounds = array<i64: 2, 16>, scalar_prefetch = 0 : i64, scratch_operands = 6 : i64, tpu.core_type = #tpu.core_type<sc_vector_subcore>, window_params = [{transform_indices = #map}, {transform_indices = #map}, {transform_indices = #map1}, {transform_indices = #map}, {transform_indices = #map1}]} {
    %mul3A = arith.constant 2 : i32
    %mul3A_0 = arith.muli %arg1, %mul3A : i32
    %add3A = arith.addi %mul3A_0, %arg0 : i32
    %mul3A_1 = arith.constant 128 : i32
    %mul3A_2 = arith.muli %add3A, %mul3A_1 : i32
    "tpu.region"() ({
      %run_scoped3A = tpu.sem_alloc : memref<!tpu.dma_semaphore, #tpu.memory_space<semaphore_mem>>
      %dma_start3A_141 = tpu.memref_slice %arg2[%mul3A_2] : memref<4096xi32, #tpu.memory_space<hbm>> -> memref<128xi32, #tpu.memory_space<hbm>>
      %dma_start3A_142 = tpu.memref_slice %arg2[%mul3A_2] : memref<4096xi32, #tpu.memory_space<hbm>> -> memref<128xi32, #tpu.memory_space<hbm>>
      tpu.enqueue_dma source(%dma_start3A_142 : memref<128xi32, #tpu.memory_space<hbm>>) target(%arg7 : memref<128xi32, #tpu.memory_space<vmem>>) target_semaphore(%run_scoped3A : memref<!tpu.dma_semaphore, #tpu.memory_space<semaphore_mem>>)
      %dma_wait3A_143 = tpu.memref_slice %arg2[%mul3A_2] : memref<4096xi32, #tpu.memory_space<hbm>> -> memref<128xi32, #tpu.memory_space<hbm>>
      %dma_wait3A_144 = tpu.memref_slice %arg2[%mul3A_2] : memref<4096xi32, #tpu.memory_space<hbm>> -> memref<128xi32, #tpu.memory_space<hbm>>
      tpu.wait_dma2 semaphore(%run_scoped3A : memref<!tpu.dma_semaphore, #tpu.memory_space<semaphore_mem>>) src(%dma_wait3A_144 : memref<128xi32, #tpu.memory_space<hbm>>) dst(%arg7 : memref<128xi32, #tpu.memory_space<vmem>>)
      tpu.yield
    }) : () -> ()
    %dma_start3A = arith.constant 0 : i32
    %dma_start3A_3 = tpu.memref_slice %arg3[%dma_start3A] : memref<100000xi32, #tpu.memory_space<hbm>> -> memref<100000xi32, #tpu.memory_space<hbm>>
    tpu.enqueue_indirect_dma source(%dma_start3A_3 : memref<100000xi32, #tpu.memory_space<hbm>>) target(%arg8 : memref<128xi32, #tpu.memory_space<vmem>>) offsets(%arg7 : memref<128xi32, #tpu.memory_space<vmem>>) semaphore(%arg11 : memref<!tpu.dma_semaphore, #tpu.memory_space<semaphore_mem>>)
    %dma_wait3A = arith.constant 0 : i32
    %dma_wait3A_4 = tpu.memref_slice %arg3[%dma_wait3A] : memref<100000xi32, #tpu.memory_space<hbm>> -> memref<100000xi32, #tpu.memory_space<hbm>>
    tpu.wait_indirect_dma semaphore(%arg11 : memref<!tpu.dma_semaphore, #tpu.memory_space<semaphore_mem>>) src(%dma_wait3A_4 : memref<100000xi32, #tpu.memory_space<hbm>>) dst(%arg8 : memref<128xi32, #tpu.memory_space<vmem>>)
    %get3A = arith.constant 0 : index
    %get3A_5 = tpu.vector_load %arg8[%get3A] {strides = array<i32>} : memref<128xi32, #tpu.memory_space<vmem>>, vector<16xi32>,
    %get3A_6 = vector.shape_cast %get3A_5 : vector<16xi32> to vector<16xi32>
    %shift_right_logical3A = arith.constant 11 : i32
    %shift_right_logical3A_7 = vector.broadcast %shift_right_logical3A : i32 to vector<16xi32>
    %shift_right_logical3A_8 = arith.shrui %get3A_6, %shift_right_logical3A_7 : vector<16xi32>
    %shift_left3A = arith.constant 10 : i32
    %shift_left3A_9 = vector.broadcast %shift_left3A : i32 to vector<16xi32>
    %shift_left3A_10 = arith.shli %shift_right_logical3A_8, %shift_left3A_9 : vector<16xi32>
    %and3A = arith.constant 1023 : i32
    %and3A_11 = vector.broadcast %and3A : i32 to vector<16xi32>
    %and3A_12 = arith.andi %get3A_6, %and3A_11 : vector<16xi32>
    %or3A = arith.ori %shift_left3A_10, %and3A_12 : vector<16xi32>
    %swap3A = arith.constant 0 : index
    %swap3A_13 = tpu.vector_load %arg9[%swap3A] {strides = array<i32>} : memref<128xi32, #tpu.memory_space<vmem>>, vector<16xi32>,
    %swap3A_14 = vector.shape_cast %swap3A_13 : vector<16xi32> to vector<16xi32>
    %swap3A_15 = vector.shape_cast %or3A : vector<16xi32> to vector<16xi32>
    tpu.vector_store %arg9[%swap3A], %swap3A_15 {strides = array<i32>} : memref<128xi32, #tpu.memory_space<vmem>>, vector<16xi32>,
    %get3A_16 = arith.constant 16 : index
    %get3A_17 = tpu.vector_load %arg8[%get3A_16] {strides = array<i32>} : memref<128xi32, #tpu.memory_space<vmem>>, vector<16xi32>,
    %get3A_18 = vector.shape_cast %get3A_17 : vector<16xi32> to vector<16xi32>
    %shift_right_logical3A_19 = arith.constant 11 : i32
    %shift_right_logical3A_20 = vector.broadcast %shift_right_logical3A_19 : i32 to vector<16xi32>
    %shift_right_logical3A_21 = arith.shrui %get3A_18, %shift_right_logical3A_20 : vector<16xi32>
    %shift_left3A_22 = arith.constant 10 : i32
    %shift_left3A_23 = vector.broadcast %shift_left3A_22 : i32 to vector<16xi32>
    %shift_left3A_24 = arith.shli %shift_right_logical3A_21, %shift_left3A_23 : vector<16xi32>
    %and3A_25 = arith.constant 1023 : i32
    %and3A_26 = vector.broadcast %and3A_25 : i32 to vector<16xi32>
    %and3A_27 = arith.andi %get3A_18, %and3A_26 : vector<16xi32>
    %or3A_28 = arith.ori %shift_left3A_24, %and3A_27 : vector<16xi32>
    %swap3A_29 = arith.constant 16 : index
    %swap3A_30 = tpu.vector_load %arg9[%swap3A_29] {strides = array<i32>} : memref<128xi32, #tpu.memory_space<vmem>>, vector<16xi32>,
    %swap3A_31 = vector.shape_cast %swap3A_30 : vector<16xi32> to vector<16xi32>
    %swap3A_32 = vector.shape_cast %or3A_28 : vector<16xi32> to vector<16xi32>
    tpu.vector_store %arg9[%swap3A_29], %swap3A_32 {strides = array<i32>} : memref<128xi32, #tpu.memory_space<vmem>>, vector<16xi32>,
    %get3A_33 = arith.constant 32 : index
    %get3A_34 = tpu.vector_load %arg8[%get3A_33] {strides = array<i32>} : memref<128xi32, #tpu.memory_space<vmem>>, vector<16xi32>,
    %get3A_35 = vector.shape_cast %get3A_34 : vector<16xi32> to vector<16xi32>
    %shift_right_logical3A_36 = arith.constant 11 : i32
    %shift_right_logical3A_37 = vector.broadcast %shift_right_logical3A_36 : i32 to vector<16xi32>
    %shift_right_logical3A_38 = arith.shrui %get3A_35, %shift_right_logical3A_37 : vector<16xi32>
    %shift_left3A_39 = arith.constant 10 : i32
    %shift_left3A_40 = vector.broadcast %shift_left3A_39 : i32 to vector<16xi32>
    %shift_left3A_41 = arith.shli %shift_right_logical3A_38, %shift_left3A_40 : vector<16xi32>
    %and3A_42 = arith.constant 1023 : i32
    %and3A_43 = vector.broadcast %and3A_42 : i32 to vector<16xi32>
    %and3A_44 = arith.andi %get3A_35, %and3A_43 : vector<16xi32>
    %or3A_45 = arith.ori %shift_left3A_41, %and3A_44 : vector<16xi32>
    %swap3A_46 = arith.constant 32 : index
    %swap3A_47 = tpu.vector_load %arg9[%swap3A_46] {strides = array<i32>} : memref<128xi32, #tpu.memory_space<vmem>>, vector<16xi32>,
    %swap3A_48 = vector.shape_cast %swap3A_47 : vector<16xi32> to vector<16xi32>
    %swap3A_49 = vector.shape_cast %or3A_45 : vector<16xi32> to vector<16xi32>
    tpu.vector_store %arg9[%swap3A_46], %swap3A_49 {strides = array<i32>} : memref<128xi32, #tpu.memory_space<vmem>>, vector<16xi32>,
    %get3A_50 = arith.constant 48 : index
    %get3A_51 = tpu.vector_load %arg8[%get3A_50] {strides = array<i32>} : memref<128xi32, #tpu.memory_space<vmem>>, vector<16xi32>,
    %get3A_52 = vector.shape_cast %get3A_51 : vector<16xi32> to vector<16xi32>
    %shift_right_logical3A_53 = arith.constant 11 : i32
    %shift_right_logical3A_54 = vector.broadcast %shift_right_logical3A_53 : i32 to vector<16xi32>
    %shift_right_logical3A_55 = arith.shrui %get3A_52, %shift_right_logical3A_54 : vector<16xi32>
    %shift_left3A_56 = arith.constant 10 : i32
    %shift_left3A_57 = vector.broadcast %shift_left3A_56 : i32 to vector<16xi32>
    %shift_left3A_58 = arith.shli %shift_right_logical3A_55, %shift_left3A_57 : vector<16xi32>
    %and3A_59 = arith.constant 1023 : i32
    %and3A_60 = vector.broadcast %and3A_59 : i32 to vector<16xi32>
    %and3A_61 = arith.andi %get3A_52, %and3A_60 : vector<16xi32>
    %or3A_62 = arith.ori %shift_left3A_58, %and3A_61 : vector<16xi32>
    %swap3A_63 = arith.constant 48 : index
    %swap3A_64 = tpu.vector_load %arg9[%swap3A_63] {strides = array<i32>} : memref<128xi32, #tpu.memory_space<vmem>>, vector<16xi32>,
    %swap3A_65 = vector.shape_cast %swap3A_64 : vector<16xi32> to vector<16xi32>
    %swap3A_66 = vector.shape_cast %or3A_62 : vector<16xi32> to vector<16xi32>
    tpu.vector_store %arg9[%swap3A_63], %swap3A_66 {strides = array<i32>} : memref<128xi32, #tpu.memory_space<vmem>>, vector<16xi32>,
    %get3A_67 = arith.constant 64 : index
    %get3A_68 = tpu.vector_load %arg8[%get3A_67] {strides = array<i32>} : memref<128xi32, #tpu.memory_space<vmem>>, vector<16xi32>,
    %get3A_69 = vector.shape_cast %get3A_68 : vector<16xi32> to vector<16xi32>
    %shift_right_logical3A_70 = arith.constant 11 : i32
    %shift_right_logical3A_71 = vector.broadcast %shift_right_logical3A_70 : i32 to vector<16xi32>
    %shift_right_logical3A_72 = arith.shrui %get3A_69, %shift_right_logical3A_71 : vector<16xi32>
    %shift_left3A_73 = arith.constant 10 : i32
    %shift_left3A_74 = vector.broadcast %shift_left3A_73 : i32 to vector<16xi32>
    %shift_left3A_75 = arith.shli %shift_right_logical3A_72, %shift_left3A_74 : vector<16xi32>
    %and3A_76 = arith.constant 1023 : i32
    %and3A_77 = vector.broadcast %and3A_76 : i32 to vector<16xi32>
    %and3A_78 = arith.andi %get3A_69, %and3A_77 : vector<16xi32>
    %or3A_79 = arith.ori %shift_left3A_75, %and3A_78 : vector<16xi32>
    %swap3A_80 = arith.constant 64 : index
    %swap3A_81 = tpu.vector_load %arg9[%swap3A_80] {strides = array<i32>} : memref<128xi32, #tpu.memory_space<vmem>>, vector<16xi32>,
    %swap3A_82 = vector.shape_cast %swap3A_81 : vector<16xi32> to vector<16xi32>
    %swap3A_83 = vector.shape_cast %or3A_79 : vector<16xi32> to vector<16xi32>
    tpu.vector_store %arg9[%swap3A_80], %swap3A_83 {strides = array<i32>} : memref<128xi32, #tpu.memory_space<vmem>>, vector<16xi32>,
    %get3A_84 = arith.constant 80 : index
    %get3A_85 = tpu.vector_load %arg8[%get3A_84] {strides = array<i32>} : memref<128xi32, #tpu.memory_space<vmem>>, vector<16xi32>,
    %get3A_86 = vector.shape_cast %get3A_85 : vector<16xi32> to vector<16xi32>
    %shift_right_logical3A_87 = arith.constant 11 : i32
    %shift_right_logical3A_88 = vector.broadcast %shift_right_logical3A_87 : i32 to vector<16xi32>
    %shift_right_logical3A_89 = arith.shrui %get3A_86, %shift_right_logical3A_88 : vector<16xi32>
    %shift_left3A_90 = arith.constant 10 : i32
    %shift_left3A_91 = vector.broadcast %shift_left3A_90 : i32 to vector<16xi32>
    %shift_left3A_92 = arith.shli %shift_right_logical3A_89, %shift_left3A_91 : vector<16xi32>
    %and3A_93 = arith.constant 1023 : i32
    %and3A_94 = vector.broadcast %and3A_93 : i32 to vector<16xi32>
    %and3A_95 = arith.andi %get3A_86, %and3A_94 : vector<16xi32>
    %or3A_96 = arith.ori %shift_left3A_92, %and3A_95 : vector<16xi32>
    %swap3A_97 = arith.constant 80 : index
    %swap3A_98 = tpu.vector_load %arg9[%swap3A_97] {strides = array<i32>} : memref<128xi32, #tpu.memory_space<vmem>>, vector<16xi32>,
    %swap3A_99 = vector.shape_cast %swap3A_98 : vector<16xi32> to vector<16xi32>
    %swap3A_100 = vector.shape_cast %or3A_96 : vector<16xi32> to vector<16xi32>
    tpu.vector_store %arg9[%swap3A_97], %swap3A_100 {strides = array<i32>} : memref<128xi32, #tpu.memory_space<vmem>>, vector<16xi32>,
    %get3A_101 = arith.constant 96 : index
    %get3A_102 = tpu.vector_load %arg8[%get3A_101] {strides = array<i32>} : memref<128xi32, #tpu.memory_space<vmem>>, vector<16xi32>,
    %get3A_103 = vector.shape_cast %get3A_102 : vector<16xi32> to vector<16xi32>
    %shift_right_logical3A_104 = arith.constant 11 : i32
    %shift_right_logical3A_105 = vector.broadcast %shift_right_logical3A_104 : i32 to vector<16xi32>
    %shift_right_logical3A_106 = arith.shrui %get3A_103, %shift_right_logical3A_105 : vector<16xi32>
    %shift_left3A_107 = arith.constant 10 : i32
    %shift_left3A_108 = vector.broadcast %shift_left3A_107 : i32 to vector<16xi32>
    %shift_left3A_109 = arith.shli %shift_right_logical3A_106, %shift_left3A_108 : vector<16xi32>
    %and3A_110 = arith.constant 1023 : i32
    %and3A_111 = vector.broadcast %and3A_110 : i32 to vector<16xi32>
    %and3A_112 = arith.andi %get3A_103, %and3A_111 : vector<16xi32>
    %or3A_113 = arith.ori %shift_left3A_109, %and3A_112 : vector<16xi32>
    %swap3A_114 = arith.constant 96 : index
    %swap3A_115 = tpu.vector_load %arg9[%swap3A_114] {strides = array<i32>} : memref<128xi32, #tpu.memory_space<vmem>>, vector<16xi32>,
    %swap3A_116 = vector.shape_cast %swap3A_115 : vector<16xi32> to vector<16xi32>
    %swap3A_117 = vector.shape_cast %or3A_113 : vector<16xi32> to vector<16xi32>
    tpu.vector_store %arg9[%swap3A_114], %swap3A_117 {strides = array<i32>} : memref<128xi32, #tpu.memory_space<vmem>>, vector<16xi32>,
    %get3A_118 = arith.constant 112 : index
    %get3A_119 = tpu.vector_load %arg8[%get3A_118] {strides = array<i32>} : memref<128xi32, #tpu.memory_space<vmem>>, vector<16xi32>,
    %get3A_120 = vector.shape_cast %get3A_119 : vector<16xi32> to vector<16xi32>
    %shift_right_logical3A_121 = arith.constant 11 : i32
    %shift_right_logical3A_122 = vector.broadcast %shift_right_logical3A_121 : i32 to vector<16xi32>
    %shift_right_logical3A_123 = arith.shrui %get3A_120, %shift_right_logical3A_122 : vector<16xi32>
    %shift_left3A_124 = arith.constant 10 : i32
    %shift_left3A_125 = vector.broadcast %shift_left3A_124 : i32 to vector<16xi32>
    %shift_left3A_126 = arith.shli %shift_right_logical3A_123, %shift_left3A_125 : vector<16xi32>
    %and3A_127 = arith.constant 1023 : i32
    %and3A_128 = vector.broadcast %and3A_127 : i32 to vector<16xi32>
    %and3A_129 = arith.andi %get3A_120, %and3A_128 : vector<16xi32>
    %or3A_130 = arith.ori %shift_left3A_126, %and3A_129 : vector<16xi32>
    %swap3A_131 = arith.constant 112 : index
    %swap3A_132 = tpu.vector_load %arg9[%swap3A_131] {strides = array<i32>} : memref<128xi32, #tpu.memory_space<vmem>>, vector<16xi32>,
    %swap3A_133 = vector.shape_cast %swap3A_132 : vector<16xi32> to vector<16xi32>
    %swap3A_134 = vector.shape_cast %or3A_130 : vector<16xi32> to vector<16xi32>
    tpu.vector_store %arg9[%swap3A_131], %swap3A_134 {strides = array<i32>} : memref<128xi32, #tpu.memory_space<vmem>>, vector<16xi32>,
    %dma_start3A_135 = arith.constant 0 : i32
    %dma_start3A_136 = arith.constant 0 : i32
    %dma_start3A_137 = tpu.memref_slice %arg4[%dma_start3A_135, %dma_start3A_136] : memref<50176x128xf32, #tpu.memory_space<hbm>> -> memref<50176x128xf32, #tpu.memory_space<hbm>>
    tpu.enqueue_indirect_dma source(%dma_start3A_137 : memref<50176x128xf32, #tpu.memory_space<hbm>>) target(%arg10 : memref<128x128xf32, #tpu.memory_space<vmem>>) offsets(%arg9 : memref<128xi32, #tpu.memory_space<vmem>>) semaphore(%arg12 : memref<!tpu.dma_semaphore, #tpu.memory_space<semaphore_mem>>)
    %dma_wait3A_138 = arith.constant 0 : i32
    %dma_wait3A_139 = arith.constant 0 : i32
    %dma_wait3A_140 = tpu.memref_slice %arg4[%dma_wait3A_138, %dma_wait3A_139] : memref<50176x128xf32, #tpu.memory_space<hbm>> -> memref<50176x128xf32, #tpu.memory_space<hbm>>
    tpu.wait_indirect_dma semaphore(%arg12 : memref<!tpu.dma_semaphore, #tpu.memory_space<semaphore_mem>>) src(%dma_wait3A_140 : memref<50176x128xf32, #tpu.memory_space<hbm>>) dst(%arg10 : memref<128x128xf32, #tpu.memory_space<vmem>>)
    "tpu.region"() ({
      %run_scoped3A = tpu.sem_alloc : memref<!tpu.dma_semaphore, #tpu.memory_space<semaphore_mem>>
      %dma_start3A_141 = tpu.memref_slice %arg5[%mul3A_2] : memref<4096xi32, #tpu.memory_space<hbm>> -> memref<128xi32, #tpu.memory_space<hbm>>
      %dma_start3A_142 = tpu.memref_slice %arg5[%mul3A_2] : memref<4096xi32, #tpu.memory_space<hbm>> -> memref<128xi32, #tpu.memory_space<hbm>>
      tpu.enqueue_dma source(%arg8 : memref<128xi32, #tpu.memory_space<vmem>>) target(%dma_start3A_142 : memref<128xi32, #tpu.memory_space<hbm>>) target_semaphore(%run_scoped3A : memref<!tpu.dma_semaphore, #tpu.memory_space<semaphore_mem>>)
      %dma_wait3A_143 = tpu.memref_slice %arg5[%mul3A_2] : memref<4096xi32, #tpu.memory_space<hbm>> -> memref<128xi32, #tpu.memory_space<hbm>>
      %dma_wait3A_144 = tpu.memref_slice %arg5[%mul3A_2] : memref<4096xi32, #tpu.memory_space<hbm>> -> memref<128xi32, #tpu.memory_space<hbm>>
      tpu.wait_dma2 semaphore(%run_scoped3A : memref<!tpu.dma_semaphore, #tpu.memory_space<semaphore_mem>>) src(%arg8 : memref<128xi32, #tpu.memory_space<vmem>>) dst(%dma_wait3A_144 : memref<128xi32, #tpu.memory_space<hbm>>)
      tpu.yield
    }) : () -> ()
    "tpu.region"() ({
      %run_scoped3A = tpu.sem_alloc : memref<!tpu.dma_semaphore, #tpu.memory_space<semaphore_mem>>
      %dma_start3A_141 = arith.constant 0 : i32
      %dma_start3A_142 = tpu.memref_slice %arg6[%mul3A_2, %dma_start3A_141] : memref<4096x128xf32, #tpu.memory_space<hbm>> -> memref<128x128xf32, #tpu.memory_space<hbm>>
      %dma_start3A_143 = arith.constant 0 : i32
      %dma_start3A_144 = tpu.memref_slice %arg6[%mul3A_2, %dma_start3A_143] : memref<4096x128xf32, #tpu.memory_space<hbm>> -> memref<128x128xf32, #tpu.memory_space<hbm>>
      tpu.enqueue_dma source(%arg10 : memref<128x128xf32, #tpu.memory_space<vmem>>) target(%dma_start3A_144 : memref<128x128xf32, #tpu.memory_space<hbm>>) target_semaphore(%run_scoped3A : memref<!tpu.dma_semaphore, #tpu.memory_space<semaphore_mem>>)
      %dma_wait3A_145 = arith.constant 0 : i32
      %dma_wait3A_146 = tpu.memref_slice %arg6[%mul3A_2, %dma_wait3A_145] : memref<4096x128xf32, #tpu.memory_space<hbm>> -> memref<128x128xf32, #tpu.memory_space<hbm>>
      %dma_wait3A_147 = arith.constant 0 : i32
      %dma_wait3A_148 = tpu.memref_slice %arg6[%mul3A_2, %dma_wait3A_147] : memref<4096x128xf32, #tpu.memory_space<hbm>> -> memref<128x128xf32, #tpu.memory_space<hbm>>
      tpu.wait_dma2 semaphore(%run_scoped3A : memref<!tpu.dma_semaphore, #tpu.memory_space<semaphore_mem>>) src(%arg10 : memref<128x128xf32, #tpu.memory_space<vmem>>) dst(%dma_wait3A_148 : memref<128x128xf32, #tpu.memory_space<hbm>>)
      tpu.yield
    }) : () -> ()
    return
  }
}

module attributes {stable_mosaic.version = 14 : i64} {
  func.func @_finish_kernel(%arg0: memref<4096x64xf32, #tpu.memory_space<vmem>>, %arg1: memref<4096x128xf32, #tpu.memory_space<vmem>>, %arg2: memref<4096x1xi32, #tpu.memory_space<vmem>>, %arg3: memref<4096x1xf32, #tpu.memory_space<vmem>>, %arg4: memref<1x1xf32, #tpu.memory_space<vmem>>) attributes {dimension_semantics = [], scalar_prefetch = 0 : i64, scratch_operands = 0 : i64, tpu.core_type = #tpu.core_type<tc>} {
    %get3A = arith.constant 0 : index
    %get3A_0 = arith.constant 0 : index
    %get3A_1 = vector.load %arg0[%get3A, %get3A_0] : memref<4096x64xf32, #tpu.memory_space<vmem>>, vector<4096x64xf32>
    %mul3A = arith.constant 2.885390e+01 : f32
    %mul3A_2 = vector.broadcast %mul3A : f32 to vector<4096x64xf32>
    %mul3A_3 = arith.mulf %get3A_1, %mul3A_2 : vector<4096x64xf32>
    %get3A_4 = arith.constant 0 : index
    %get3A_5 = arith.constant 0 : index
    %get3A_6 = vector.load %arg1[%get3A_4, %get3A_5] : memref<4096x128xf32, #tpu.memory_space<vmem>>, vector<4096x64xf32>
    %mul3A_7 = arith.mulf %mul3A_3, %get3A_6 : vector<4096x64xf32>
    %reduce_sum3A = arith.constant dense<0.000000e+00> : vector<4096xf32>
    %reduce_sum3A_8 = vector.multi_reduction <add>, %mul3A_7, %reduce_sum3A [1] : vector<4096x64xf32> to vector<4096xf32>
    %broadcast_in_dim3A = vector.shape_cast %reduce_sum3A_8 : vector<4096xf32> to vector<4096x1xf32>
    %get3A_9 = arith.constant 0 : index
    %get3A_10 = arith.constant 64 : index
    %get3A_11 = vector.load %arg1[%get3A_9, %get3A_10] : memref<4096x128xf32, #tpu.memory_space<vmem>>, vector<4096x64xf32>
    %mul3A_12 = arith.mulf %mul3A_3, %get3A_11 : vector<4096x64xf32>
    %reduce_sum3A_13 = arith.constant dense<0.000000e+00> : vector<4096xf32>
    %reduce_sum3A_14 = vector.multi_reduction <add>, %mul3A_12, %reduce_sum3A_13 [1] : vector<4096x64xf32> to vector<4096xf32>
    %broadcast_in_dim3A_15 = vector.shape_cast %reduce_sum3A_14 : vector<4096xf32> to vector<4096x1xf32>
    %get3A_16 = arith.constant 0 : index
    %get3A_17 = arith.constant 0 : index
    %get3A_18 = vector.load %arg2[%get3A_16, %get3A_17] : memref<4096x1xi32, #tpu.memory_space<vmem>>, vector<4096x1xi32>
    %shift_right_logical3A = arith.constant 10 : i32
    %shift_right_logical3A_19 = vector.broadcast %shift_right_logical3A : i32 to vector<4096x1xi32>
    %shift_right_logical3A_20 = arith.shrui %get3A_18, %shift_right_logical3A_19 : vector<4096x1xi32>
    %and3A = arith.constant 1 : i32
    %and3A_21 = vector.broadcast %and3A : i32 to vector<4096x1xi32>
    %and3A_22 = arith.andi %shift_right_logical3A_20, %and3A_21 : vector<4096x1xi32>
    %eq3A = arith.constant 1 : i32
    %eq3A_23 = vector.broadcast %eq3A : i32 to vector<4096x1xi32>
    %eq3A_24 = arith.cmpi eq, %and3A_22, %eq3A_23 : vector<4096x1xi32>
    %select_n3A = arith.select %eq3A_24, %broadcast_in_dim3A_15, %broadcast_in_dim3A : vector<4096x1xi1>, vector<4096x1xf32>
    %get3A_25 = arith.constant 0 : index
    %get3A_26 = arith.constant 0 : index
    %get3A_27 = vector.load %arg3[%get3A_25, %get3A_26] : memref<4096x1xf32, #tpu.memory_space<vmem>>, vector<4096x1xf32>
    %sub3A = arith.constant 3.520000e+02 : f32
    %sub3A_28 = vector.broadcast %sub3A : f32 to vector<4096x1xf32>
    %sub3A_29 = arith.subf %get3A_27, %sub3A_28 : vector<4096x1xf32>
    %exp23A = math.exp2 %select_n3A : vector<4096x1xf32>
    %add3A = arith.constant 9.99999997E-7 : f32
    %add3A_30 = vector.broadcast %add3A : f32 to vector<4096x1xf32>
    %add3A_31 = arith.addf %sub3A_29, %add3A_30 : vector<4096x1xf32>
    %div3A = arith.divf %exp23A, %add3A_31 : vector<4096x1xf32>
    %add3A_32 = arith.constant 9.99999997E-7 : f32
    %add3A_33 = vector.broadcast %add3A_32 : f32 to vector<4096x1xf32>
    %add3A_34 = arith.addf %div3A, %add3A_33 : vector<4096x1xf32>
    %log3A = math.log %add3A_34 : vector<4096x1xf32>
    %reduce_sum3A_35 = arith.constant dense<0.000000e+00> : vector<1xf32>
    %reduce_sum3A_36 = vector.multi_reduction <add>, %log3A, %reduce_sum3A_35 [0] : vector<4096x1xf32> to vector<1xf32>
    %broadcast_in_dim3A_37 = vector.shape_cast %reduce_sum3A_36 : vector<1xf32> to vector<1x1xf32>
    %mul3A_38 = arith.constant -2.44140625E-4 : f32
    %mul3A_39 = vector.broadcast %mul3A_38 : f32 to vector<1x1xf32>
    %mul3A_40 = arith.mulf %broadcast_in_dim3A_37, %mul3A_39 : vector<1x1xf32>
    %swap3A = arith.constant 0 : index
    %swap3A_41 = arith.constant 0 : index
    %swap3A_42 = vector.load %arg4[%swap3A, %swap3A_41] : memref<1x1xf32, #tpu.memory_space<vmem>>, vector<1x1xf32>
    tpu.vector_store %arg4[%swap3A, %swap3A_41], %mul3A_40 {strides = array<i32>} : memref<1x1xf32, #tpu.memory_space<vmem>>, vector<1x1xf32>,
    return
  }
}

module attributes {stable_mosaic.version = 14 : i64} {
  func.func @_sums_kernel(%arg0: i32, %arg1: memref<4096x64xf32, #tpu.memory_space<vmem>>, %arg2: memref<64x2048xf32, #tpu.memory_space<vmem>>, %arg3: memref<4096x1xf32, #tpu.memory_space<vmem>>, %arg4: memref<1024x128xf32, #tpu.memory_space<vmem>>) attributes {dimension_semantics = [#tpu.dimension_semantics<arbitrary>], iteration_bounds = array<i64: 49>, scalar_prefetch = 0 : i64, scratch_operands = 0 : i64, tpu.core_type = #tpu.core_type<tc>, window_params = [{pipeline_mode = #tpu.pipeline_mode<synchronous>, transform_indices = @transform_0, window_bounds = array<i64: 4096, 64>}, {transform_indices = @transform_1, window_bounds = array<i64: 64, 2048>}, {pipeline_mode = #tpu.pipeline_mode<synchronous>, transform_indices = @transform_2, window_bounds = array<i64: 4096, 1>}, {transform_indices = @transform_3, window_bounds = array<i64: 1024, 128>}]} {
    %eq3A = arith.constant 0 : i32
    %eq3A_0 = arith.cmpi eq, %arg0, %eq3A : i32
    %convert_element_type3A = arith.extui %eq3A_0 : i1 to i32
    %cond3A = arith.constant 0 : i32
    %cond3A_1 = arith.cmpi ne, %convert_element_type3A, %cond3A : i32
    scf.if %cond3A_1 {
      %broadcast_in_dim3A_32 = arith.constant 0.000000e+00 : f32
      %broadcast_in_dim3A_33 = vector.broadcast %broadcast_in_dim3A_32 : f32 to vector<4096x1xf32>
      %swap3A_34 = arith.constant 0 : index
      %swap3A_35 = arith.constant 0 : index
      %swap3A_36 = vector.load %arg3[%swap3A_34, %swap3A_35] : memref<4096x1xf32, #tpu.memory_space<vmem>>, vector<4096x1xf32>
      tpu.vector_store %arg3[%swap3A_34, %swap3A_35], %broadcast_in_dim3A_33 {strides = array<i32>} : memref<4096x1xf32, #tpu.memory_space<vmem>>, vector<4096x1xf32>,
    } else {
    }
    %get3A = arith.constant 0 : index
    %get3A_2 = arith.constant 0 : index
    %get3A_3 = vector.load %arg1[%get3A, %get3A_2] : memref<4096x64xf32, #tpu.memory_space<vmem>>, vector<4096x64xf32>
    %mul3A = arith.constant 2.885390e+01 : f32
    %mul3A_4 = vector.broadcast %mul3A : f32 to vector<4096x64xf32>
    %mul3A_5 = arith.mulf %get3A_3, %mul3A_4 : vector<4096x64xf32>
    %convert_element_type3A_6 = arith.truncf %mul3A_5 : vector<4096x64xf32> to vector<4096x64xbf16>
    %broadcast_in_dim3A = arith.constant 0.000000e+00 : f32
    %broadcast_in_dim3A_7 = vector.broadcast %broadcast_in_dim3A : f32 to vector<4096x1xf32>
    %mul3A_8 = arith.constant 2048 : i32
    %mul3A_9 = arith.muli %arg0, %mul3A_8 : i32
    %sub3A = arith.constant 100000 : i32
    %sub3A_10 = arith.subi %sub3A, %mul3A_9 : i32
    %sub3A_11 = arith.constant 0 : i32
    %sub3A_12 = arith.subi %sub3A_10, %sub3A_11 : i32
    %iota3A = tpu.iota {dimensions = array<i32: 1>} : vector<64x2048xi32>
    %get3A_13 = arith.constant 0 : index
    %get3A_14 = arith.constant 0 : index
    %get3A_15 = vector.load %arg2[%get3A_13, %get3A_14] : memref<64x2048xf32, #tpu.memory_space<vmem>>, vector<64x2048xf32>
    %lt3A = vector.broadcast %sub3A_12 : i32 to vector<64x2048xi32>
    %lt3A_16 = arith.cmpi slt, %iota3A, %lt3A : vector<64x2048xi32>
    %jit3A = arith.constant 0.000000e+00 : f32
    %broadcast_in_dim3A_17 = vector.broadcast %jit3A : f32 to vector<64x2048xf32>
    %select_n3A = arith.select %lt3A_16, %get3A_15, %broadcast_in_dim3A_17 : vector<64x2048xi1>, vector<64x2048xf32>
    %convert_element_type3A_18 = arith.truncf %select_n3A : vector<64x2048xf32> to vector<64x2048xbf16>
    %dot_general3A = arith.constant dense<0.000000e+00> : vector<4096x2048xf32>
    %dot_general3A_19 = tpu.matmul %convert_element_type3A_6, %convert_element_type3A_18, %dot_general3A {dimension_numbers = #tpu.dot_dimension_numbers<[1], [0], [0], [1], [0, 0, 1, 1], [], []>, transpose_lhs_hint = false} : vector<4096x64xbf16>, vector<64x2048xbf16>, vector<4096x2048xf32> -> vector<4096x2048xf32>
    %exp23A = math.exp2 %dot_general3A_19 : vector<4096x2048xf32>
    %reduce_sum3A = arith.constant dense<0.000000e+00> : vector<4096xf32>
    %reduce_sum3A_20 = vector.multi_reduction <add>, %exp23A, %reduce_sum3A [1] : vector<4096x2048xf32> to vector<4096xf32>
    %broadcast_in_dim3A_21 = vector.shape_cast %reduce_sum3A_20 : vector<4096xf32> to vector<4096x1xf32>
    %add3A = arith.addf %broadcast_in_dim3A_7, %broadcast_in_dim3A_21 : vector<4096x1xf32>
    %transpose3A = tpu.transpose %get3A_15, [1, 0] : vector<64x2048xf32> -> vector<2048x64xf32>
    %slice3A = vector.extract_strided_slice %transpose3A {offsets = [0, 0], sizes = [1024, 64], strides = [1, 1]} : vector<2048x64xf32> to vector<1024x64xf32>
    %slice3A_22 = vector.extract_strided_slice %transpose3A {offsets = [1024, 0], sizes = [1024, 64], strides = [1, 1]} : vector<2048x64xf32> to vector<1024x64xf32>
    %concatenate3A = tpu.concatenate %slice3A, %slice3A_22 in 1 : vector<1024x64xf32>, vector<1024x64xf32> -> vector<1024x128xf32>
    %swap3A = arith.constant 0 : index
    %swap3A_23 = arith.constant 0 : index
    %swap3A_24 = vector.load %arg4[%swap3A, %swap3A_23] : memref<1024x128xf32, #tpu.memory_space<vmem>>, vector<1024x128xf32>
    tpu.vector_store %arg4[%swap3A, %swap3A_23], %concatenate3A {strides = array<i32>} : memref<1024x128xf32, #tpu.memory_space<vmem>>, vector<1024x128xf32>,
    %get3A_25 = arith.constant 0 : index
    %get3A_26 = arith.constant 0 : index
    %get3A_27 = vector.load %arg3[%get3A_25, %get3A_26] : memref<4096x1xf32, #tpu.memory_space<vmem>>, vector<4096x1xf32>
    %add3A_28 = arith.addf %get3A_27, %add3A : vector<4096x1xf32>
    %swap3A_29 = arith.constant 0 : index
    %swap3A_30 = arith.constant 0 : index
    %swap3A_31 = vector.load %arg3[%swap3A_29, %swap3A_30] : memref<4096x1xf32, #tpu.memory_space<vmem>>, vector<4096x1xf32>
    tpu.vector_store %arg3[%swap3A_29, %swap3A_30], %add3A_28 {strides = array<i32>} : memref<4096x1xf32, #tpu.memory_space<vmem>>, vector<4096x1xf32>,
    return
  }
  func.func @transform_0(%arg0: i32) -> (i32, i32) {
    %c0_i32 = arith.constant 0 : i32
    %c0_i32_0 = arith.constant 0 : i32
    %c0_i32_1 = arith.constant 0 : i32
    return %c0_i32, %c0_i32_0 : i32, i32
  }
  func.func @transform_1(%arg0: i32) -> (i32, i32) {
    %c0_i32 = arith.constant 0 : i32
    %c0_i32_0 = arith.constant 0 : i32
    return %c0_i32, %arg0 : i32, i32
  }
  func.func @transform_2(%arg0: i32) -> (i32, i32) {
    %c0_i32 = arith.constant 0 : i32
    %c0_i32_0 = arith.constant 0 : i32
    %c0_i32_1 = arith.constant 0 : i32
    return %c0_i32, %c0_i32_0 : i32, i32
  }
  func.func @transform_3(%arg0: i32) -> (i32, i32) {
    %c0_i32 = arith.constant 0 : i32
    %c0_i32_0 = arith.constant 0 : i32
    return %arg0, %c0_i32 : i32, i32
  }
}

</mosaic_0001>

<sc_bundles>
// kernel: kernel.5.cloned.1.call-start
scs
__scs_entry_jumppad:
0x0: {  	(pc) =	sbr.rel $0x88, $3  }
0x1: {  	(tag) =	ssettag $0x0;
	lr =	simm.s32 $0x1  }
0x2: {  	[smem:$0x3F9D] =	sst lr;
	_ =	strace $0xD0000000  }
0x3: {  	_ = 	snop  }
0x4: {  	_ = 	snop  }
0x5: {  	_ = 	snop  }
0x6: {  	_ = 	snop  }
0x7: {  	_ = 	snop  }
__scs_overlays_trampoline_lowered:
0x8: {  	[smem:$0x3FAC] =	sst s0  }
0x9: {  	[smem:$0x3FAD] =	sst s1  }
0xa: {  	[smem:$0x3FAE] =	sst s2  }
0xb: {  	[smem:$0x3FAF] =	sst s3  }
0xc: {  	[smem:$0x3FB0] =	sst s4  }
0xd: {  	[smem:$0x3FB1] =	sst s5  }
0xe: {  	[smem:$0x3FB2] =	sst s6  }
0xf: {  	[smem:$0x3FB3] =	sst s7  }
0x10: {  	[smem:$0x3FB4] =	sst s8  }
0x11: {  	[smem:$0x3FB5] =	sst s9;
	s0 =	simm.s32 @!p0 $0x0  }
0x12: {  	s1 =	sld [smem:$0x3F9B];
	s0 =	simm.s32 @p0 $0x1  }
0x13: {  	[smem:$0x3FB6] =	sst s0;
	s0 =	simm.s32 @!p1 $0x0  }
0x14: {  	s2 =	sld [smem:$0x3F9A];
	s0 =	simm.s32 @p1 $0x1  }
0x15: {  	[smem:$0x3FB7] =	sst s0;
	s0 =	simm.s32 @!p2 $0x0  }
0x16: {  	s3 =	sld [smem:$0x3FDB];
	s0 =	simm.s32 @p2 $0x1  }
0x17: {  	s4 =	simm.s32 $0x1BF5;
	[smem:$0x3FB9] =	sst s0  }
0x18: {  	s0 =	sld [smem:$0x3F9C];
	_ =	swait.ge [sflag:s4], $0x0  }
0x19: {  	s7 =	sld [smem:$0x3F9D]  }
0x1a: {  	s8 =	sadd.s32 $0xFFFFE003, lr  }
0x1b: {  	s9 =	sadd.s32 $0xFFFFFEF7, lr;
	s5 =	simm.s32 $0xFFFFFFFF;
	p2 =	slt.u32 s8, $0xFFFFF086  }
0x1c: {  	p1 =	slt.u32 s9, $0xF7A;
	s5 =	simm.s32 @!p2 $0x0  }
0x1d: {  	s5 =	simm.s32 @p1 $0x1;
	p0 =	seq.s32 s7, s2  }
0x1e: {  	s7 =	smul.u32 @!p0 $0xF7A, s2;
	p2 =	seq.s32 @!p0 s5, $0x0  }
0x1f: {  	s9 =	smul.u32 $0xF7A, s1;
	s8 =	simm.s32 @!p0 $0x1BF5;
	p2 =	por !p2, p0  }
0x20: {  	[sflag:s8] =	ssyncset.s32 @!p0 $0xFFFFF086;
	s6 =	sadd.s32 @!p0 s3, s7;
	s7 =	simm.s32 @!p0 $0x108  }
0x21: {  	s3 =	sadd.s32 s3, s9;
	s6 =	sadd.s32 @!p0 $0x88, s6;
	s7 =	simm.s32 @p2 $0x1082  }
0x22: {  	[simem:s7], [sflag:s8] =	dma.local @!p0 [hbm:s6], $0xF7A  }
0x23: {  	s9 =	sor.u32 $0xD0000000, s2;
	s6 =	simm.s32 $0x108;
	_ =	swait.ge @!p0 [sflag:s8], $0x0  }
0x24: {  	s3 =	sadd.s32 $0x88, s3;
	s6 =	simm.s32 @!p1 $0x1082;
	[sflag:s4] =	ssyncset.s32 $0xFFFFF086  }
0x25: {  	[simem:s6], [sflag:s4] =	dma.local [hbm:s3], $0xF7A  }
0x26: {  	[smem:$0x3F9D] =	sst s1;
	(tag) =	ssettag s2;
	_ =	strace s9  }
0x27: {  	s1 =	sld [smem:$0x3FAD]  }
0x28: {  	s2 =	sld [smem:$0x3FAE]  }
0x29: {  	s4 =	sld [smem:$0x3FB0]  }
0x2a: {  	p0 =	seq.s32 s5, $0x0;
	s5 =	sld [smem:$0x3FB1]  }
0x2b: {  	s6 =	sld [smem:$0x3FB2]  }
0x2c: {  	s7 =	sld [smem:$0x3FB3]  }
0x2d: {  	s3 =	simm.s32 $0x108;
	s8 =	sld [smem:$0x3FB4]  }
0x2e: {  	s3 =	simm.s32 @!p0 $0x1082;
	s9 =	sld [smem:$0x3FB5]  }
0x2f: {  	lr =	sadd.s32 s0, s3;
	s0 =	sld [smem:$0x3FAC]  }
0x30: {  	s3 =	sld [smem:$0x3FAF]  }
0x31: {  	[smem:$0x3FB8] =	sst s10  }
0x32: {  	s10 =	sld [smem:$0x3FB6];
	_ =	sdelay $0x3  }
0x33: {  	p0 =	seq.s32 s10, $0x1;
	s10 =	sld [smem:$0x3FB8];
	_ =	sdelay $0x3  }
0x34: {  	[smem:$0x3FB8] =	sst s10  }
0x35: {  	s10 =	sld [smem:$0x3FB7];
	_ =	sdelay $0x3  }
0x36: {  	p1 =	seq.s32 s10, $0x1;
	s10 =	sld [smem:$0x3FB8];
	_ =	sdelay $0x3  }
0x37: {  	[smem:$0x3FB8] =	sst s10  }
0x38: {  	s10 =	sld [smem:$0x3FB9]  }
0x39: {  	_ = 	snop;
	(pc) =	sbr.ind lr, $3  }
0x3a: {  	_ = 	snop  }
0x3b: {  	_ = 	snop  }
0x3c: {  	p2 =	seq.s32 s10, $0x1;
	s10 =	sld [smem:$0x3FB8]  }
0x3d: {  	_ =	shalt  }
0x3e: {  	_ =	shalt  }
0x3f: {  	_ =	shalt  }
0x40: {  	_ =	shalt  }
0x41: {  	_ =	shalt  }
0x42: {  	_ =	shalt  }
0x43: {  	_ =	shalt  }
0x44: {  	_ =	shalt  }
0x45: {  	_ =	shalt  }
0x46: {  	_ =	shalt  }
0x47: {  	_ =	shalt  }
0x48: {  	_ =	shalt  }
0x49: {  	_ =	shalt  }
0x4a: {  	_ =	shalt  }
0x4b: {  	_ =	shalt  }
0x4c: {  	_ =	shalt  }
0x4d: {  	_ =	shalt  }
0x4e: {  	_ =	shalt  }
0x4f: {  	_ =	shalt  }
0x50: {  	_ =	shalt  }
0x51: {  	_ =	shalt  }
0x52: {  	_ =	shalt  }
0x53: {  	_ =	shalt  }
0x54: {  	_ =	shalt  }
0x55: {  	_ =	shalt  }
0x56: {  	_ =	shalt  }
0x57: {  	_ =	shalt  }
0x58: {  	_ =	shalt  }
0x59: {  	_ =	shalt  }
0x5a: {  	_ =	shalt  }
0x5b: {  	_ =	shalt  }
0x5c: {  	_ =	shalt  }
0x5d: {  	_ =	shalt  }
0x5e: {  	_ =	shalt  }
0x5f: {  	_ =	shalt  }
0x60: {  	_ =	shalt  }
0x61: {  	_ =	shalt  }
0x62: {  	_ =	shalt  }
0x63: {  	_ =	shalt  }
0x64: {  	_ =	shalt  }
0x65: {  	_ =	shalt  }
0x66: {  	_ =	shalt  }
0x67: {  	_ =	shalt  }
0x68: {  	_ =	shalt  }
0x69: {  	_ =	shalt  }
0x6a: {  	_ =	shalt  }
0x6b: {  	_ =	shalt  }
0x6c: {  	_ =	shalt  }
0x6d: {  	_ =	shalt  }
0x6e: {  	_ =	shalt  }
0x6f: {  	_ =	shalt  }
0x70: {  	_ =	shalt  }
0x71: {  	_ =	shalt  }
0x72: {  	_ =	shalt  }
0x73: {  	_ =	shalt  }
0x74: {  	_ =	shalt  }
0x75: {  	_ =	shalt  }
0x76: {  	_ =	shalt  }
0x77: {  	_ =	shalt  }
0x78: {  	_ =	shalt  }
0x79: {  	_ =	shalt  }
0x7a: {  	_ =	shalt  }
0x7b: {  	_ =	shalt  }
0x7c: {  	_ =	shalt  }
0x7d: {  	_ =	shalt  }
0x7e: {  	_ =	shalt  }
0x7f: {  	_ =	shalt  }
0x80: {  	_ =	shalt  }
0x81: {  	_ =	shalt  }
0x82: {  	_ =	shalt  }
0x83: {  	_ =	shalt  }
0x84: {  	_ =	shalt  }
0x85: {  	_ =	shalt  }
0x86: {  	_ =	shalt  }
0x87: {  	_ =	shalt  }
.Lfunc_end0:
.L_simem_size_0:
called_computation_lowered:
.L_overlay_start_0:
0x88: {  	s2 =	sld [smem:$0x3FD9]  }
0x89: {  	s3 =	sld [smem:$0x3FFE];
	_ =	sdelay $0x1  }
0x8a: {  	s1 =	srdreg.scid  }
0x8b: {  	s0 =	sand.u32 $0x1, s1  }
0x8c: {  	s17 =	sshll.u32 s0, $0xA;
	s2 =	sadd.s32 s3, s2  }
0x8d: {  	s2 =	sadd.s32 s2, s17  }
0x8e: {  	[smem:$0x3FC4] =	sst s2  }
0x8f: {  	_ = 	snop  }
0x90: {  	s2 =	sld [smem:$0x3FC8]  }
0x91: {  	s18 =	sld [smem:$0x3FC7];
	(tm) =	ssettm $0x1  }
0x92: {  	s4 =	sld [smem:$0x3FFB];
	_ =	sdelay $0x3  }
0x93: {  	_ =	strace s4  }
0x94: {  	s4 =	sld [smem:$0x3FFC];
	_ =	sdelay $0x3  }
0x95: {  	_ =	strace s4  }
0x96: {  	s4 =	sld [smem:$0x3FFD];
	_ =	sdelay $0x3  }
0x97: {  	_ =	strace s4  }
0x98: {  	_ =	strace $0x8FFFFFFF  }
0x99: {  	s19 =	sld [smem:$0x3FDB];
	_ =	sdelay $0x1  }
0x9a: {  	s5 =	simm.s32 $_scs_section_size  }
0x9b: {  	s6 =	simm.s32 $_size__tile_overlayer_lowered;
	s7 =	simm.s32 $_tile_overlayer_lowered  }
0x9c: {  	s22 =	simm.s32 $0x1BFF;
	s21 =	sshll.u32 s7, $0x1;
	s4 =	sadd.s32 s5, s19  }
0x9d: {  	s8 =	simm.s32 $0x0;
	s20 =	sshll.u32 s6, $0x1;
	s6 =	sadd.s32 s21, s4  }
0x9e: {  	[timem:s8], [sflag:s22] =	dma.local [hbm:s6], s20  }
0x9f: {  	_ =	swait.ge [sflag:s22], s20  }
0xa0: {  	s5 =	ssub.s32 $0x0, s20;
	[sflag:s22] =	ssyncset.done $0x0  }
0xa1: {  	[sflag:s22] =	ssyncadd.s32 s5;
	_ =	sdelay $0x1  }
0xa2: {  	s23 =	simm.s32 $0x1B8B  }
0xa3: {  	_ =	swait.ge [sflag:s23], $0x1  }
0xa4: {  	[sflag:s23] =	ssyncset.done $0x0  }
0xa5: {  	s25 =	simm.s32 $0x1B8E;
	s24 =	sld [smem:$0x3FFE];
	[sflag:s23] =	ssyncadd.s32 $0xFFFFFFFF  }
0xa6: {  	s26 =	simm.s32 $execute0_lowered;
	[smem:$0x3FD2] =	sst s25  }
0xa7: {  	s6 =	sshll.u32 s26, $0x1;
	_ =	strace $0x80000046;
	[dreg:$0x1] =	wrdreg $0xFFFFFFFF  }
0xa8: {  	s28 =	simm.s32 $_size_execute0_lowered;
	s4 =	sadd.s32 s4, s6;
	[dreg:$0x0] =	wrdreg $0x0  }
0xa9: {  	s6 =	sshll.u32 s28, $0x1;
	[dreg:$0x2] =	wrdreg s4  }
0xaa: {  	[dreg:$0x3] =	wrdreg s6  }
0xab: {  	[dreg:$0x4] =	wrdreg $0xC0  }
0xac: {  	_ =	task [dreg:s8], $0x5FFFF  }
0xad: {  	[dreg:$0x1] =	wrdreg $0xFFFFFFFF  }
0xae: {  	[dreg:$0x0] =	wrdreg $0x60  }
0xaf: {  	[dreg:$0x2] =	wrdreg s2  }
0xb0: {  	[dreg:$0x3] =	wrdreg s18  }
0xb1: {  	[dreg:$0x4] =	wrdreg s24  }
0xb2: {  	[dreg:$0x5] =	wrdreg $0x9  }
0xb3: {  	_ =	task.clear_ibuf [dreg:s8], $0x6FFFF;
	_ =	strace $0x90000046  }
0xb4: {  	s29 =	simm.s32 $0x9;
	_ =	strace $0x80000048  }
0xb5: {  	_ =	swait.ge [sflag:s29], $0x1  }
0xb6: {  	[sflag:s29] =	ssyncadd.s32 $0xFFFFFFFF  }
0xb7: {  	_ =	strace $0x90000048  }
0xb8: {  	_ =	sfence  }
0xb9: {  	s30 =	sld [smem:$0x0];
	_ =	sdelay $0x2  }
0xba: {  	s31 =	sshll.u32 s1, $0xD;
	s1 =	sshrl.u32 s1, $0x2  }
0xbb: {  	s3 =	sand.u32 $0x4000, s31;
	s1 =	sadd.s32 s1, s30  }
0xbc: {  	s0 =	sor.u32 s3, s0;
	s1 =	sshll.u32 s1, $0x11  }
0xbd: {  	s0 =	sor.u32 s1, s0  }
0xbe: {  	s0 =	sadd.s32 $0x8F2B, s0  }
0xbf: {  	[sflag:s0] =	ssyncadd.remote.s32 $0x1  }
0xc0: {  	_ =	sfence.sel $0xFFFF  }
0xc1: {  	[dreg:$0x0] =	wrdreg $0xFFFFFFFF;
	(pc) =	sbr.abs _section_cstart, $3  }
0xc2: {  	[dreg:$0x1] =	wrdreg $0xFFFFFFFF  }
0xc3: {  	_ =	task.clear_ibuf [dreg:s8], $0x2FFFF;
	_ =	strace $0x9FFFFFFF  }
0xc4: {  	(tm) =	ssettm $0x7FFFFFFF  }
0xc5: {  	_ =	shalt  }
tec
execute0_lowered:
.L_overlay_start_1:
0x0: {  	(tag) =	ssettag $0x1  }
0x1: {  	s4 =	rddreg [dreg:$0x0];
	s1 =	srdreg.scid  }
0x2: {  	s3 =	rddreg [dreg:$0x1];
	s0 =	stileid.u32;
	s8 =	sand.u32 $0x1, s1  }
0x3: {  	s9 =	rddreg [dreg:$0x2];
	s5 =	sshll.u32 s0, $0x8;
	s6 =	sshll.u32 s8, $0x7  }
0x4: {  	s2 =	simm.s32 $0x0;
	s1 =	rddreg [dreg:$0x3];
	s10 =	sor.u32 s6, s5  }
0x5: {  	[smem:$0x7FF] =	sst s2;
	s11 =	sshrl.u32 s10, $0x3  }
0x6: {  	_ =	strace $0x80000047;
	s6 =	sadd.s32 s4, s11;
	s4 =	simm.s32 $0x3  }
0x7: {  	[tilespmem:s2], [sflag:$0x3] =	stream.linear.gather [hbm4b:s6+s2], $0x80, $0x38;
	[tilespmem:$0x4180] =	vst v63  }
0x8: {  	_ =	swait.ge [sflag:s4], $0x80  }
0x9: {  	[sflag:s4] =	ssyncset.done $0x0  }
0xa: {  	s7 =	simm.s32 $0x1;
	s5 =	simm.s32 $0x80;
	[sflag:s4] =	ssyncadd.s32 $0xFFFFFF80  }
0xb: {  	[tilespmem:s5], [sflag:$0x1] =	stream.indirect.gather [hbm4b:s3+s5], $0x1, s2, s5, $0xb8;
	[tilespmem:$0x4180] =	vst v63  }
0xc: {  	_ =	swait.ge [sflag:s7], $0x80  }
0xd: {  	[sflag:s7] =	ssyncset.done $0x0  }
0xe: {  	[sflag:s7] =	ssyncadd.s32 $0xFFFFFF80  }
0xf: {  	v0 =	vld [tilespmem:$0xE0]  }
0x10: {  	v1 =	vld [tilespmem:$0x80]  }
0x11: {  	v2 =	vld [tilespmem:$0x90]  }
0x12: {  	v3 =	vld [tilespmem:$0xC0]  }
0x13: {  	v4 =	vld [tilespmem:$0xA0]  }
0x14: {  	v5 =	vld [tilespmem:$0xB0];
	_ =	sdelay $0x1  }
0x15: {  	v6 =	vshrl.u32 v0, $0x1  }
0x16: {  	v7 =	vld [tilespmem:$0xD0];
	v0 =	vand.u32 $0x3FF, v0;
	v8 =	vshrl.u32 v1, $0x1;
	v9 =	vand.u32 $0x3FF, v2  }
0x17: {  	v2 =	vshrl.u32 v2, $0x1;
	v51 =	vand.u32 $0x3FF, v3;
	v1 =	vand.u32 $0x3FF, v1  }
0x18: {  	s12 =	ssub.s32 $0x2, s8;
	v11 =	vand.u32 $0x3FF, v4;
	v53 =	vand.u32 $0x3FF, v5;
	v6 =	vand.u32 $0x7FFFFC00, v6  }
0x19: {  	s13 =	sshrl.u32 s12, $0x1;
	v10 =	vld [tilespmem:$0xF0];
	v4 =	vshrl.u32 v4, $0x1;
	v2 =	vand.u32 $0x7FFFFC00, v2;
	v0 =	vor.u32 v0, v6  }
0x1a: {  	s12 =	ssub.s32 s12, s13;
	v54 =	vshrl.u32 v5, $0x1;
	v50 =	vand.u32 $0x7FFFFC00, v8;
	v52 =	vor.u32 v9, v2;
	[tilespmem:$0x160] =	vst v0  }
0x1b: {  	s14 =	smax.u32 s12, $0x1;
	v55 =	vshrl.u32 v7, $0x1;
	v4 =	vand.u32 $0x7FFFFC00, v4;
	v1 =	vor.u32 v1, v50;
	[tilespmem:$0x110] =	vst v52  }
0x1c: {  	p0 =	sne.s32 s14, $0x1;
	v59 =	vand.u32 $0x3FF, v7;
	v58 =	vand.u32 $0x7FFFFC00, v55;
	v57 =	vor.u32 v11, v4;
	[tilespmem:$0x100] =	vst v1  }
.Ltmp0:
0x1d: {  	v56 =	vshrl.u32 v3, $0x1;
	v60 =	vor.u32 v59, v58;
	v0 =	vand.u32 $0x7FFFFC00, v54;
	[tilespmem:$0x120] =	vst v57;
	(pc) =	sbr.rel @!p0 .LBB2_2-.Ltmp0, $4  }
0x1e: {  	s8 =	sadd.s32 $0xC00, s9;
	v61 =	vshrl.u32 v10, $0x1;
	v1 =	vand.u32 $0x7FFFFC00, v56;
	[tilespmem:$0x150] =	vst v60;
	v0 =	vor.u32 v53, v0  }
0x1f: {  	s10 =	sshll.u32 s10, $0x4;
	s13 =	simm.s32 $0x2;
	s11 =	sadd.s32 s11, s9;
	v63 =	vand.u32 $0x3FF, v10;
	v62 =	vand.u32 $0x7FFFFC00, v61;
	v1 =	vor.u32 v51, v1;
	[tilespmem:$0x130] =	vst v0  }
0x20: {  	s10 =	sadd.s32 s10, s9;
	s12 =	simm.s32 $0x100;
	s9 =	sadd.s32 $0xC4C00, s11;
	[tilespmem:$0x140] =	vst v1;
	v0 =	vor.u32 v63, v62  }
0x21: {  	s10 =	sadd.s32 $0xC4E00, s10;
	s11 =	simm.s32 $0x180;
	s14 =	sadd.s32 $0xFFFFFFFF, s14;
	[tilespmem:$0x170] =	vst v0  }
.LBB2_1:
0x22: {  	[tilespmem:s11], [sflag:$0x2] =	stream.indirect.gather [hbm4b:s8+s5], $0x80, s12, s5, $0xb8;
	[tilespmem:$0x4180] =	vst v63  }
0x23: {  	p0 =	sne.s32 s14, $0x1;
	s14 =	sadd.s32 $0xFFFFFFFF, s14;
	_ =	swait.ge [sflag:s13], $0x4000  }
0x24: {  	[sflag:s13] =	ssyncset.done $0x0  }
0x25: {  	[sflag:s13] =	ssyncadd.s32 $0xFFFFC000  }
0x26: {  	[hbm4b:s9+s2] =	stream.linear.scatter [tilespmem:s5], [sflag:$0x3], $0x80, $0x38;
	[tilespmem:$0x4180] =	vst v63  }
0x27: {  	_ =	swait.ge [sflag:s4], $0x80  }
0x28: {  	[sflag:s4] =	ssyncset.done $0x0  }
0x29: {  	[sflag:s4] =	ssyncadd.s32 $0xFFFFFF80  }
0x2a: {  	[hbm4b:s10+s2] =	stream.linear.scatter [tilespmem:s11], [sflag:$0x3], $0x4000, $0x38;
	[tilespmem:$0x4180] =	vst v63  }
0x2b: {  	_ =	swait.ge [sflag:s4], $0x4000  }
0x2c: {  	[sflag:s4] =	ssyncset.done $0x0  }
0x2d: {  	[sflag:s4] =	ssyncadd.s32 $0xFFFFC000  }
0x2e: {  	[tilespmem:s2], [sflag:$0x3] =	stream.linear.gather [hbm4b:s6+s2], $0x80, $0x38;
	[tilespmem:$0x4180] =	vst v63  }
0x2f: {  	_ =	swait.ge [sflag:s4], $0x80  }
0x30: {  	[sflag:s4] =	ssyncset.done $0x0  }
0x31: {  	[sflag:s4] =	ssyncadd.s32 $0xFFFFFF80  }
0x32: {  	[tilespmem:s5], [sflag:$0x1] =	stream.indirect.gather [hbm4b:s3+s5], $0x1, s2, s5, $0xb8;
	[tilespmem:$0x4180] =	vst v63  }
0x33: {  	_ =	swait.ge [sflag:s7], $0x80  }
0x34: {  	[sflag:s7] =	ssyncset.done $0x0  }
0x35: {  	[sflag:s7] =	ssyncadd.s32 $0xFFFFFF80  }
0x36: {  	v0 =	vld [tilespmem:$0xE0]  }
0x37: {  	v1 =	vld [tilespmem:$0x90]  }
0x38: {  	v2 =	vld [tilespmem:$0x80]  }
0x39: {  	v3 =	vld [tilespmem:$0xC0]  }
0x3a: {  	v4 =	vld [tilespmem:$0xA0]  }
0x3b: {  	v5 =	vld [tilespmem:$0xB0];
	v6 =	vshrl.u32 v0, $0x1;
	v0 =	vand.u32 $0x3FF, v0  }
0x3c: {  	v7 =	vand.u32 $0x3FF, v1;
	v8 =	vld [tilespmem:$0xD0];
	v6 =	vand.u32 $0x7FFFFC00, v6  }
0x3d: {  	v9 =	vshrl.u32 v2, $0x1;
	v0 =	vor.u32 v0, v6;
	v6 =	vld [tilespmem:$0xF0]  }
0x3e: {  	v1 =	vshrl.u32 v1, $0x1;
	v9 =	vand.u32 $0x7FFFFC00, v9;
	v10 =	vand.u32 $0x3FF, v3  }
0x3f: {  	v2 =	vand.u32 $0x3FF, v2;
	v1 =	vand.u32 $0x7FFFFC00, v1;
	v11 =	vand.u32 $0x3FF, v4;
	[tilespmem:$0x160] =	vst v0  }
0x40: {  	v1 =	vor.u32 v7, v1;
	v0 =	vor.u32 v2, v9;
	v2 =	vand.u32 $0x3FF, v5  }
0x41: {  	[tilespmem:$0x110] =	vst v1;
	v1 =	vshrl.u32 v4, $0x1;
	v4 =	vshrl.u32 v5, $0x1;
	v5 =	vshrl.u32 v8, $0x1  }
0x42: {  	v3 =	vshrl.u32 v3, $0x1;
	[tilespmem:$0x100] =	vst v0;
	v0 =	vand.u32 $0x7FFFFC00, v1;
	v1 =	vand.u32 $0x7FFFFC00, v4  }
0x43: {  	v0 =	vor.u32 v11, v0;
	v1 =	vor.u32 v2, v1;
	v2 =	vand.u32 $0x7FFFFC00, v3  }
.Ltmp1:
0x44: {  	v3 =	vand.u32 $0x3FF, v8;
	[tilespmem:$0x120] =	vst v0;
	v0 =	vor.u32 v10, v2;
	v2 =	vand.u32 $0x7FFFFC00, v5;
	(pc) =	sbr.rel @p0 .LBB2_1-.Ltmp1, $4  }
0x45: {  	[tilespmem:$0x130] =	vst v1;
	v1 =	vor.u32 v3, v2;
	v2 =	vshrl.u32 v6, $0x1  }
0x46: {  	[tilespmem:$0x150] =	vst v1;
	v1 =	vand.u32 $0x7FFFFC00, v2;
	v2 =	vand.u32 $0x3FF, v6  }
0x47: {  	[tilespmem:$0x140] =	vst v0;
	v0 =	vor.u32 v2, v1  }
0x48: {  	[tilespmem:$0x170] =	vst v0  }
.LBB2_2:
0x49: {  	[tilespmem:s11], [sflag:$0x2] =	stream.indirect.gather [hbm4b:s8+s5], $0x80, s12, s5, $0xb8;
	[tilespmem:$0x4180] =	vst v63  }
0x4a: {  	_ =	swait.ge [sflag:s13], $0x4000  }
0x4b: {  	[sflag:s13] =	ssyncset.done $0x0  }
0x4c: {  	[sflag:s13] =	ssyncadd.s32 $0xFFFFC000  }
0x4d: {  	[hbm4b:s9+s2] =	stream.linear.scatter [tilespmem:s5], [sflag:$0x3], $0x80, $0x38;
	[tilespmem:$0x4180] =	vst v63  }
0x4e: {  	_ =	swait.ge [sflag:s4], $0x80  }
0x4f: {  	[sflag:s4] =	ssyncset.done $0x0  }
0x50: {  	[sflag:s4] =	ssyncadd.s32 $0xFFFFFF80  }
0x51: {  	[hbm4b:s10+s2] =	stream.linear.scatter [tilespmem:s11], [sflag:$0x3], $0x4000, $0x38;
	[tilespmem:$0x4180] =	vst v63  }
0x52: {  	_ =	swait.ge [sflag:s4], $0x4000  }
0x53: {  	[sflag:s4] =	ssyncset.done $0x0  }
0x54: {  	[sflag:s4] =	ssyncadd.s32 $0xFFFFC000  }
0x55: {  	_ =	sfence.sel $0x180000  }
0x56: {  	[bflag:$0x0] =	sbarrier.arrive $0xFFFF  }
0x57: {  	p0 =	sne.s32 s0, $0x0;
	_ =	strace $0x90000047  }
0x58: {  	s0 =	sadd.s32 @!p0 $0x100000, s1;
	[bflag:$0x2] =	sbarrier.arrive $0xFFFF  }
0x59: {  	[sflag:s0] =	ssyncadd.tile.s32 @!p0 $0x1;
	_ =	shalt  }
.Lfunc_end2:
_tile_overlayer_lowered:
.L_overlay_start_2:
0x5a: {  	(tag) =	ssettag $0x2  }
0x5b: {  	s0 =	rddreg [dreg:$0x0];
	s2 =	stileid.u32  }
0x5c: {  	s1 =	rddreg [dreg:$0x1];
	p0 =	sne.s32 s2, $0x0  }
0x5d: {  	s3 =	rddreg [dreg:$0x2];
	[bflag:$0x3] =	sbarrier.arrive $0xFFFF;
	s2 =	simm.s32 @!p0 $0x1C03  }
0x5e: {  	[timem:s3], [sflag:s2] =	dma.local @!p0 [hbm:s0], s1  }
0x5f: {  	s0 =	simm.s32 @!p0 $0x3  }
0x60: {  	_ =	swait.ge @!p0 [sflag:s0], s1  }
0x61: {  	s1 =	ssub.s32 @!p0 $0x0, s1;
	[sflag:s0] =	ssyncset.done @!p0 $0x0  }
0x62: {  	[sflag:s0] =	ssyncadd.s32 @!p0 s1  }
0x63: {  	[bflag:$0x3] =	sbarrier.arrive $0xFFFF  }
0x64: {  	_ =	shalt  }

</sc_bundles>
